<compile_context>
chip_gen: v7x
topology: tpu7x:2x2x1
jax: 0.10.2.dev20260603
libtpu: 0.0.44.dev20260713+nightly
codegen_flags: <defaults>
</compile_context>

<pallas_src>
import functools

import jax
import jax.numpy as jnp
from jax import lax
from jax.experimental import pallas as pl
from jax.experimental.pallas import tpu as pltpu
from jax.experimental.pallas import tpu_sc as plsc

NC = 2
NS = 16
NW = NC * NS

CHUNK = 80


def _tc_project(x, wt, bt, wp, bp):
    N, D = x.shape
    BL = 1000
    grid = (N // BL,)

    def body(x_ref, wt_ref, bt_ref, wp_ref, bp_ref, z0_ref, zc_ref):
        m = jnp.dot(wt_ref[...], wp_ref[...], preferred_element_type=jnp.float32)
        c = jnp.dot(bt_ref[...], wp_ref[...], preferred_element_type=jnp.float32)
        c = c + bp_ref[...]
        z0 = jnp.dot(x_ref[...], m, preferred_element_type=jnp.float32)
        z0_ref[...] = z0
        zc_ref[...] = z0 + c

    row = pl.BlockSpec((BL, D), lambda i: (i, 0))
    full = pl.BlockSpec((D, D), lambda i: (0, 0))
    vec = pl.BlockSpec((1, D), lambda i: (0, 0))
    return pl.pallas_call(
        body,
        grid=grid,
        in_specs=[row, full, vec, full, vec],
        out_specs=[row, row],
        out_shape=[
            jax.ShapeDtypeStruct((N, D), jnp.float32),
            jax.ShapeDtypeStruct((N, D), jnp.float32),
        ],
    )(x, wt, bt, wp, bp)


def _sc_finish(z0, zc, src, dst, iota, V):
    N, D = z0.shape
    E = src.shape[0]
    ew = E // NS
    nch = ew // CHUNK
    slab = 624
    tail = N - NS * slab

    mesh = plsc.VectorSubcoreMesh(
        core_axis_name="c", subcore_axis_name="s", num_cores=1, num_subcores=NS
    )

    OCH = 104

    @functools.partial(
        pl.kernel,
        mesh=mesh,
        out_type=jax.ShapeDtypeStruct((N, D), jnp.float32),
        scratch_types=[
            pltpu.VMEM_SHARED((N + 8, D), jnp.float32),
            pltpu.VMEM((CHUNK,), jnp.int32),
            pltpu.VMEM((CHUNK,), jnp.int32),
            pltpu.VMEM((CHUNK,), jnp.int32),
            pltpu.VMEM((CHUNK,), jnp.int32),
            pltpu.VMEM((CHUNK, D), jnp.float32),
            pltpu.VMEM((CHUNK, D), jnp.float32),
            pltpu.SemaphoreType.DMA,
            pltpu.SemaphoreType.DMA,
            pltpu.SemaphoreType.DMA,
            pltpu.SemaphoreType.DMA,
        ],
    )
    def k(z0_hbm, zc_hbm, src_hbm, dst_hbm, iota_hbm, out_hbm, agg_sh,
          src_v0, dst_v0, src_v1, dst_v1, rows0, rows1,
          sem_i0, sem_i1, sem_g0, sem_g1):
        sid = lax.axis_index("s")
        wid = sid

        r0 = sid * slab
        pltpu.sync_copy(zc_hbm.at[pl.ds(r0, slab)], agg_sh.at[pl.ds(r0, slab)])

        @pl.when(sid == NS - 1)
        def _():
            pltpu.sync_copy(
                zc_hbm.at[pl.ds(NS * slab, tail)], agg_sh.at[pl.ds(NS * slab, tail)]
            )

        plsc.subcore_barrier()

        ebase = wid * ew

        def fire_idx(c, sv, dv, sem):
            base = ebase + c * CHUNK
            pltpu.async_copy(src_hbm.at[pl.ds(base, CHUNK)], sv, sem)
            pltpu.async_copy(dst_hbm.at[pl.ds(base, CHUNK)], dv, sem)

        def wait_idx(sv, dv, sem):
            pltpu.make_async_copy(src_hbm.at[pl.ds(0, CHUNK)], sv, sem).wait()
            pltpu.make_async_copy(dst_hbm.at[pl.ds(0, CHUNK)], dv, sem).wait()

        fire_idx(0, src_v0, dst_v0, sem_i0)
        fire_idx(1, src_v1, dst_v1, sem_i1)
        wait_idx(src_v0, dst_v0, sem_i0)
        pltpu.async_copy(z0_hbm.at[src_v0], rows0, sem_g0)

        @pl.loop(0, nch // 2)
        def _(i):
            more = i < nch // 2 - 1
            wait_idx(src_v1, dst_v1, sem_i1)
            pltpu.async_copy(z0_hbm.at[src_v1], rows1, sem_g1)
            pltpu.make_async_copy(z0_hbm.at[src_v0], rows0, sem_g0).wait()
            pltpu.sync_copy(rows0, agg_sh.at[dst_v0], add=True)

            @pl.when(more)
            def _():
                fire_idx(2 * i + 2, src_v0, dst_v0, sem_i0)
                wait_idx(src_v0, dst_v0, sem_i0)
                pltpu.async_copy(z0_hbm.at[src_v0], rows0, sem_g0)

            pltpu.make_async_copy(z0_hbm.at[src_v1], rows1, sem_g1).wait()
            pltpu.sync_copy(rows1, agg_sh.at[dst_v1], add=True)

            @pl.when(more)
            def _():
                fire_idx(2 * i + 3, src_v1, dst_v1, sem_i1)

        plsc.subcore_barrier()

        pltpu.sync_copy(agg_sh.at[pl.ds(r0, slab)], out_hbm.at[pl.ds(r0, slab)])

        @pl.when(sid == NS - 1)
        def _():
            t0 = NS * slab
            pltpu.sync_copy(agg_sh.at[pl.ds(t0, tail)], out_hbm.at[pl.ds(t0, tail)])

    return k(z0, zc, src, dst, iota)


def kernel(x, edge_index, W_trn, b_trn, W_prd, b_prd):
    N, D = x.shape
    V = W_prd.shape[0]

    wt = W_trn.T
    wp = jnp.pad(W_prd, ((0, D - V), (0, 0))).T
    bt = b_trn.reshape(1, D)
    bp = jnp.pad(b_prd, (0, D - V)).reshape(1, D)
    z0, zc = _tc_project(x, wt, bt, wp, bp)

    E = edge_index.shape[1]
    per_tile = -(-E // (NS * 2 * CHUNK)) * 2 * CHUNK
    EP = NS * per_tile
    src = jnp.pad(edge_index[0], (0, EP - E))
    dst = jnp.pad(edge_index[1], (0, EP - E), constant_values=N)

    iota = jnp.arange(N, dtype=jnp.int32)
    out_full = _sc_finish(z0, zc, src, dst, iota, V)
    return out_full[:, :V]

# --- scband reference (transcript-rebuilt; emitter-appended) ---
"""Pipeline reference for scband-maegindecoder-9749575762319 (READ-ONLY COPY).

The authoritative reference and input builder live on the scoring server;
editing this copy changes nothing except your own understanding.
"""

import jax, jax.numpy as jnp
import numpy as np

N = 10000
E = 320000
D = 128
V = 119

def setup_inputs(seed: int = 0) -> dict:
    key = jax.random.key(seed)
    k1, k2, k3, k4, k5, k6 = jax.random.split(key, 6)
    x = jax.random.normal(k1, (N, D), dtype=jnp.float32)
    edge_index = jax.random.randint(k2, (2, E), 0, N, dtype=jnp.int32)
    # Linear(hidden_dim, hidden_dim)
    W_trn = jax.random.normal(k3, (D, D), dtype=jnp.float32) * (1.0 / np.sqrt(D))
    b_trn = jax.random.normal(k4, (D,), dtype=jnp.float32) * 0.01
    # Linear(hidden_dim, node_dict_size)
    W_prd = jax.random.normal(k5, (V, D), dtype=jnp.float32) * (1.0 / np.sqrt(D))
    b_prd = jax.random.normal(k6, (V,), dtype=jnp.float32) * 0.01
    return {"x": x, "edge_index": edge_index, "W_trn": W_trn, "b_trn": b_trn, "W_prd": W_prd, "b_prd": b_prd}

def reference(x, edge_index, W_trn, b_trn, W_prd, b_prd):
    # GINConv with nn.Identity() MLP and eps=0 (default, non-trainable):
    #   out = (1 + eps) * x + sum_{j in N(i)} x_j  ==  x + scatter_add(x[src] -> dst)
    src = edge_index[0]
    dst = edge_index[1]
    msgs = jnp.take(x, src, axis=0)
    agg = jax.ops.segment_sum(msgs, dst, num_segments=x.shape[0])
    h = x + agg
    # trn: Linear(hidden_dim, hidden_dim)
    h = h @ W_trn.T + b_trn
    # prd: Linear(hidden_dim, node_dict_size)
    out = h @ W_prd.T + b_prd
    return out

if __name__ == "__main__":
    import jax
    _d = setup_inputs()
    print(jax.jit(kernel)(*tuple(_d.values())))

</pallas_src>

<mosaic_0001>
#map = affine_map<(d0, d1) -> (0, 0)>
#map1 = affine_map<(d0, d1) -> (0)>
module attributes {stable_mosaic.version = 14 : i64} {
  func.func @k(%arg0: i32, %arg1: i32, %arg2: memref<10000x128xf32, #tpu.memory_space<hbm>>, %arg3: memref<10000x128xf32, #tpu.memory_space<hbm>>, %arg4: memref<320000xi32, #tpu.memory_space<hbm>>, %arg5: memref<320000xi32, #tpu.memory_space<hbm>>, %arg6: memref<10000xi32, #tpu.memory_space<hbm>>, %arg7: memref<10000x128xf32, #tpu.memory_space<hbm>>, %arg8: memref<10008x128xf32, #tpu.memory_space<vmem_shared>>, %arg9: memref<80xi32, #tpu.memory_space<vmem>>, %arg10: memref<80xi32, #tpu.memory_space<vmem>>, %arg11: memref<80xi32, #tpu.memory_space<vmem>>, %arg12: memref<80xi32, #tpu.memory_space<vmem>>, %arg13: memref<80x128xf32, #tpu.memory_space<vmem>>, %arg14: memref<80x128xf32, #tpu.memory_space<vmem>>, %arg15: memref<!tpu.dma_semaphore, #tpu.memory_space<semaphore_mem>>, %arg16: memref<!tpu.dma_semaphore, #tpu.memory_space<semaphore_mem>>, %arg17: memref<!tpu.dma_semaphore, #tpu.memory_space<semaphore_mem>>, %arg18: memref<!tpu.dma_semaphore, #tpu.memory_space<semaphore_mem>>) attributes {dimension_semantics = [#tpu.dimension_semantics<core_parallel>, #tpu.dimension_semantics<subcore_parallel>], iteration_bounds = array<i64: 1, 16>, scalar_prefetch = 0 : i64, scratch_operands = 11 : i64, tpu.core_type = #tpu.core_type<sc_vector_subcore>, window_params = [{transform_indices = #map}, {transform_indices = #map}, {transform_indices = #map1}, {transform_indices = #map1}, {transform_indices = #map1}, {transform_indices = #map}]} {
    %mul3A = arith.constant 624 : i32
    %mul3A_0 = arith.muli %arg1, %mul3A : i32
    "tpu.region"() ({
      %run_scoped3A = tpu.sem_alloc : memref<!tpu.dma_semaphore, #tpu.memory_space<semaphore_mem>>
      %dma_start3A_35 = arith.constant 0 : i32
      %dma_start3A_36 = tpu.memref_slice %arg8[%mul3A_0, %dma_start3A_35] : memref<10008x128xf32, #tpu.memory_space<vmem_shared>> -> memref<624x128xf32, #tpu.memory_space<vmem_shared>>
      %dma_start3A_37 = arith.constant 0 : i32
      %dma_start3A_38 = tpu.memref_slice %arg3[%mul3A_0, %dma_start3A_37] : memref<10000x128xf32, #tpu.memory_space<hbm>> -> memref<624x128xf32, #tpu.memory_space<hbm>>
      tpu.enqueue_dma source(%dma_start3A_38 : memref<624x128xf32, #tpu.memory_space<hbm>>) target(%dma_start3A_36 : memref<624x128xf32, #tpu.memory_space<vmem_shared>>) target_semaphore(%run_scoped3A : memref<!tpu.dma_semaphore, #tpu.memory_space<semaphore_mem>>)
      %dma_wait3A_39 = arith.constant 0 : i32
      %dma_wait3A_40 = tpu.memref_slice %arg8[%mul3A_0, %dma_wait3A_39] : memref<10008x128xf32, #tpu.memory_space<vmem_shared>> -> memref<624x128xf32, #tpu.memory_space<vmem_shared>>
      %dma_wait3A_41 = arith.constant 0 : i32
      %dma_wait3A_42 = tpu.memref_slice %arg3[%mul3A_0, %dma_wait3A_41] : memref<10000x128xf32, #tpu.memory_space<hbm>> -> memref<624x128xf32, #tpu.memory_space<hbm>>
      tpu.wait_dma2 semaphore(%run_scoped3A : memref<!tpu.dma_semaphore, #tpu.memory_space<semaphore_mem>>) src(%dma_wait3A_42 : memref<624x128xf32, #tpu.memory_space<hbm>>) dst(%dma_wait3A_40 : memref<624x128xf32, #tpu.memory_space<vmem_shared>>)
      tpu.yield
    }) : () -> ()
    %eq3A = arith.constant 15 : i32
    %eq3A_1 = arith.cmpi eq, %arg1, %eq3A : i32
    %convert_element_type3A = arith.extui %eq3A_1 : i1 to i32
    %cond3A = arith.constant 0 : i32
    %cond3A_2 = arith.cmpi ne, %convert_element_type3A, %cond3A : i32
    scf.if %cond3A_2 {
      "tpu.region"() ({
        %run_scoped3A = tpu.sem_alloc : memref<!tpu.dma_semaphore, #tpu.memory_space<semaphore_mem>>
        %dma_start3A_35 = arith.constant 9984 : i32
        %dma_start3A_36 = arith.constant 0 : i32
        %dma_start3A_37 = tpu.memref_slice %arg8[%dma_start3A_35, %dma_start3A_36] : memref<10008x128xf32, #tpu.memory_space<vmem_shared>> -> memref<16x128xf32, #tpu.memory_space<vmem_shared>>
        %dma_start3A_38 = arith.constant 9984 : i32
        %dma_start3A_39 = arith.constant 0 : i32
        %dma_start3A_40 = tpu.memref_slice %arg3[%dma_start3A_38, %dma_start3A_39] : memref<10000x128xf32, #tpu.memory_space<hbm>> -> memref<16x128xf32, #tpu.memory_space<hbm>>
        tpu.enqueue_dma source(%dma_start3A_40 : memref<16x128xf32, #tpu.memory_space<hbm>>) target(%dma_start3A_37 : memref<16x128xf32, #tpu.memory_space<vmem_shared>>) target_semaphore(%run_scoped3A : memref<!tpu.dma_semaphore, #tpu.memory_space<semaphore_mem>>)
        %dma_wait3A_41 = arith.constant 9984 : i32
        %dma_wait3A_42 = arith.constant 0 : i32
        %dma_wait3A_43 = tpu.memref_slice %arg8[%dma_wait3A_41, %dma_wait3A_42] : memref<10008x128xf32, #tpu.memory_space<vmem_shared>> -> memref<16x128xf32, #tpu.memory_space<vmem_shared>>
        %dma_wait3A_44 = arith.constant 9984 : i32
        %dma_wait3A_45 = arith.constant 0 : i32
        %dma_wait3A_46 = tpu.memref_slice %arg3[%dma_wait3A_44, %dma_wait3A_45] : memref<10000x128xf32, #tpu.memory_space<hbm>> -> memref<16x128xf32, #tpu.memory_space<hbm>>
        tpu.wait_dma2 semaphore(%run_scoped3A : memref<!tpu.dma_semaphore, #tpu.memory_space<semaphore_mem>>) src(%dma_wait3A_46 : memref<16x128xf32, #tpu.memory_space<hbm>>) dst(%dma_wait3A_43 : memref<16x128xf32, #tpu.memory_space<vmem_shared>>)
        tpu.yield
      }) : () -> ()
    } else {
    }
    %barrier3A = arith.constant 0 : index
    tpu.barrier barrier_id(%barrier3A)
    %mul3A_3 = arith.constant 20000 : i32
    %mul3A_4 = arith.muli %arg1, %mul3A_3 : i32
    %add3A = arith.constant 0 : i32
    %add3A_5 = arith.addi %mul3A_4, %add3A : i32
    %dma_start3A = tpu.memref_slice %arg4[%add3A_5] : memref<320000xi32, #tpu.memory_space<hbm>> -> memref<80xi32, #tpu.memory_space<hbm>>
    %dma_start3A_6 = tpu.memref_slice %arg4[%add3A_5] : memref<320000xi32, #tpu.memory_space<hbm>> -> memref<80xi32, #tpu.memory_space<hbm>>
    tpu.enqueue_dma source(%dma_start3A_6 : memref<80xi32, #tpu.memory_space<hbm>>) target(%arg9 : memref<80xi32, #tpu.memory_space<vmem>>) target_semaphore(%arg15 : memref<!tpu.dma_semaphore, #tpu.memory_space<semaphore_mem>>)
    %dma_start3A_7 = tpu.memref_slice %arg5[%add3A_5] : memref<320000xi32, #tpu.memory_space<hbm>> -> memref<80xi32, #tpu.memory_space<hbm>>
    %dma_start3A_8 = tpu.memref_slice %arg5[%add3A_5] : memref<320000xi32, #tpu.memory_space<hbm>> -> memref<80xi32, #tpu.memory_space<hbm>>
    tpu.enqueue_dma source(%dma_start3A_8 : memref<80xi32, #tpu.memory_space<hbm>>) target(%arg10 : memref<80xi32, #tpu.memory_space<vmem>>) target_semaphore(%arg15 : memref<!tpu.dma_semaphore, #tpu.memory_space<semaphore_mem>>)
    %add3A_9 = arith.constant 80 : i32
    %add3A_10 = arith.addi %mul3A_4, %add3A_9 : i32
    %dma_start3A_11 = tpu.memref_slice %arg4[%add3A_10] : memref<320000xi32, #tpu.memory_space<hbm>> -> memref<80xi32, #tpu.memory_space<hbm>>
    %dma_start3A_12 = tpu.memref_slice %arg4[%add3A_10] : memref<320000xi32, #tpu.memory_space<hbm>> -> memref<80xi32, #tpu.memory_space<hbm>>
    tpu.enqueue_dma source(%dma_start3A_12 : memref<80xi32, #tpu.memory_space<hbm>>) target(%arg11 : memref<80xi32, #tpu.memory_space<vmem>>) target_semaphore(%arg16 : memref<!tpu.dma_semaphore, #tpu.memory_space<semaphore_mem>>)
    %dma_start3A_13 = tpu.memref_slice %arg5[%add3A_10] : memref<320000xi32, #tpu.memory_space<hbm>> -> memref<80xi32, #tpu.memory_space<hbm>>
    %dma_start3A_14 = tpu.memref_slice %arg5[%add3A_10] : memref<320000xi32, #tpu.memory_space<hbm>> -> memref<80xi32, #tpu.memory_space<hbm>>
    tpu.enqueue_dma source(%dma_start3A_14 : memref<80xi32, #tpu.memory_space<hbm>>) target(%arg12 : memref<80xi32, #tpu.memory_space<vmem>>) target_semaphore(%arg16 : memref<!tpu.dma_semaphore, #tpu.memory_space<semaphore_mem>>)
    %dma_wait3A = arith.constant 0 : i32
    %dma_wait3A_15 = tpu.memref_slice %arg4[%dma_wait3A] : memref<320000xi32, #tpu.memory_space<hbm>> -> memref<80xi32, #tpu.memory_space<hbm>>
    %dma_wait3A_16 = arith.constant 0 : i32
    %dma_wait3A_17 = tpu.memref_slice %arg4[%dma_wait3A_16] : memref<320000xi32, #tpu.memory_space<hbm>> -> memref<80xi32, #tpu.memory_space<hbm>>
    tpu.wait_dma2 semaphore(%arg15 : memref<!tpu.dma_semaphore, #tpu.memory_space<semaphore_mem>>) src(%dma_wait3A_17 : memref<80xi32, #tpu.memory_space<hbm>>) dst(%arg9 : memref<80xi32, #tpu.memory_space<vmem>>)
    %dma_wait3A_18 = arith.constant 0 : i32
    %dma_wait3A_19 = tpu.memref_slice %arg5[%dma_wait3A_18] : memref<320000xi32, #tpu.memory_space<hbm>> -> memref<80xi32, #tpu.memory_space<hbm>>
    %dma_wait3A_20 = arith.constant 0 : i32
    %dma_wait3A_21 = tpu.memref_slice %arg5[%dma_wait3A_20] : memref<320000xi32, #tpu.memory_space<hbm>> -> memref<80xi32, #tpu.memory_space<hbm>>
    tpu.wait_dma2 semaphore(%arg15 : memref<!tpu.dma_semaphore, #tpu.memory_space<semaphore_mem>>) src(%dma_wait3A_21 : memref<80xi32, #tpu.memory_space<hbm>>) dst(%arg10 : memref<80xi32, #tpu.memory_space<vmem>>)
    %dma_start3A_22 = arith.constant 0 : i32
    %dma_start3A_23 = arith.constant 0 : i32
    %dma_start3A_24 = tpu.memref_slice %arg2[%dma_start3A_22, %dma_start3A_23] : memref<10000x128xf32, #tpu.memory_space<hbm>> -> memref<10000x128xf32, #tpu.memory_space<hbm>>
    tpu.enqueue_indirect_dma source(%dma_start3A_24 : memref<10000x128xf32, #tpu.memory_space<hbm>>) target(%arg13 : memref<80x128xf32, #tpu.memory_space<vmem>>) offsets(%arg9 : memref<80xi32, #tpu.memory_space<vmem>>) semaphore(%arg17 : memref<!tpu.dma_semaphore, #tpu.memory_space<semaphore_mem>>)
    %scan3A = arith.constant 0 : i32
    %scan3A_25 = arith.constant 125 : i32
    %scan3A_26 = arith.addi %scan3A, %scan3A_25 : i32
    %scan3A_27 = arith.constant 1 : i32
    scf.for %scan3A_35 = %scan3A to %scan3A_26 step %scan3A_27  : i32 {
      %mul3A_36 = arith.constant 1 : i32
      %mul3A_37 = arith.muli %scan3A_35, %mul3A_36 : i32
      %add3A_38 = arith.constant 0 : i32
      %add3A_39 = arith.addi %add3A_38, %mul3A_37 : i32
      %lt3A = arith.constant 124 : i32
      %lt3A_40 = arith.cmpi slt, %add3A_39, %lt3A : i32
      %dma_wait3A_41 = arith.constant 0 : i32
      %dma_wait3A_42 = tpu.memref_slice %arg4[%dma_wait3A_41] : memref<320000xi32, #tpu.memory_space<hbm>> -> memref<80xi32, #tpu.memory_space<hbm>>
      %dma_wait3A_43 = arith.constant 0 : i32
      %dma_wait3A_44 = tpu.memref_slice %arg4[%dma_wait3A_43] : memref<320000xi32, #tpu.memory_space<hbm>> -> memref<80xi32, #tpu.memory_space<hbm>>
      tpu.wait_dma2 semaphore(%arg16 : memref<!tpu.dma_semaphore, #tpu.memory_space<semaphore_mem>>) src(%dma_wait3A_44 : memref<80xi32, #tpu.memory_space<hbm>>) dst(%arg11 : memref<80xi32, #tpu.memory_space<vmem>>)
      %dma_wait3A_45 = arith.constant 0 : i32
      %dma_wait3A_46 = tpu.memref_slice %arg5[%dma_wait3A_45] : memref<320000xi32, #tpu.memory_space<hbm>> -> memref<80xi32, #tpu.memory_space<hbm>>
      %dma_wait3A_47 = arith.constant 0 : i32
      %dma_wait3A_48 = tpu.memref_slice %arg5[%dma_wait3A_47] : memref<320000xi32, #tpu.memory_space<hbm>> -> memref<80xi32, #tpu.memory_space<hbm>>
      tpu.wait_dma2 semaphore(%arg16 : memref<!tpu.dma_semaphore, #tpu.memory_space<semaphore_mem>>) src(%dma_wait3A_48 : memref<80xi32, #tpu.memory_space<hbm>>) dst(%arg12 : memref<80xi32, #tpu.memory_space<vmem>>)
      %dma_start3A_49 = arith.constant 0 : i32
      %dma_start3A_50 = arith.constant 0 : i32
      %dma_start3A_51 = tpu.memref_slice %arg2[%dma_start3A_49, %dma_start3A_50] : memref<10000x128xf32, #tpu.memory_space<hbm>> -> memref<10000x128xf32, #tpu.memory_space<hbm>>
      tpu.enqueue_indirect_dma source(%dma_start3A_51 : memref<10000x128xf32, #tpu.memory_space<hbm>>) target(%arg14 : memref<80x128xf32, #tpu.memory_space<vmem>>) offsets(%arg11 : memref<80xi32, #tpu.memory_space<vmem>>) semaphore(%arg18 : memref<!tpu.dma_semaphore, #tpu.memory_space<semaphore_mem>>)
      %dma_wait3A_52 = arith.constant 0 : i32
      %dma_wait3A_53 = arith.constant 0 : i32
      %dma_wait3A_54 = tpu.memref_slice %arg2[%dma_wait3A_52, %dma_wait3A_53] : memref<10000x128xf32, #tpu.memory_space<hbm>> -> memref<10000x128xf32, #tpu.memory_space<hbm>>
      tpu.wait_indirect_dma semaphore(%arg17 : memref<!tpu.dma_semaphore, #tpu.memory_space<semaphore_mem>>) src(%dma_wait3A_54 : memref<10000x128xf32, #tpu.memory_space<hbm>>) dst(%arg13 : memref<80x128xf32, #tpu.memory_space<vmem>>)
      "tpu.region"() ({
        %run_scoped3A = tpu.sem_alloc : memref<!tpu.dma_semaphore, #tpu.memory_space<semaphore_mem>>
        %dma_start3A_64 = arith.constant 0 : i32
        %dma_start3A_65 = arith.constant 0 : i32
        %dma_start3A_66 = tpu.memref_slice %arg8[%dma_start3A_64, %dma_start3A_65] : memref<10008x128xf32, #tpu.memory_space<vmem_shared>> -> memref<10008x128xf32, #tpu.memory_space<vmem_shared>>
        tpu.enqueue_indirect_dma source(%arg13 : memref<80x128xf32, #tpu.memory_space<vmem>>) target(%dma_start3A_66 : memref<10008x128xf32, #tpu.memory_space<vmem_shared>>) offsets(%arg10 : memref<80xi32, #tpu.memory_space<vmem>>) semaphore(%run_scoped3A : memref<!tpu.dma_semaphore, #tpu.memory_space<semaphore_mem>>) {add = true}
        %dma_wait3A_67 = arith.constant 0 : i32
        %dma_wait3A_68 = arith.constant 0 : i32
        %dma_wait3A_69 = tpu.memref_slice %arg8[%dma_wait3A_67, %dma_wait3A_68] : memref<10008x128xf32, #tpu.memory_space<vmem_shared>> -> memref<10008x128xf32, #tpu.memory_space<vmem_shared>>
        tpu.wait_indirect_dma semaphore(%run_scoped3A : memref<!tpu.dma_semaphore, #tpu.memory_space<semaphore_mem>>) src(%arg13 : memref<80x128xf32, #tpu.memory_space<vmem>>) dst(%dma_wait3A_69 : memref<10008x128xf32, #tpu.memory_space<vmem_shared>>)
        tpu.yield
      }) : () -> ()
      %convert_element_type3A_55 = arith.extui %lt3A_40 : i1 to i32
      %cond3A_56 = arith.constant 0 : i32
      %cond3A_57 = arith.cmpi ne, %convert_element_type3A_55, %cond3A_56 : i32
      scf.if %cond3A_57 {
        %mul3A_64 = arith.constant 2 : i32
        %mul3A_65 = arith.muli %mul3A_64, %add3A_39 : i32
        %add3A_66 = arith.constant 2 : i32
        %add3A_67 = arith.addi %mul3A_65, %add3A_66 : i32
        %mul3A_68 = arith.constant 80 : i32
        %mul3A_69 = arith.muli %add3A_67, %mul3A_68 : i32
        %add3A_70 = arith.addi %mul3A_4, %mul3A_69 : i32
        %dma_start3A_71 = tpu.memref_slice %arg4[%add3A_70] : memref<320000xi32, #tpu.memory_space<hbm>> -> memref<80xi32, #tpu.memory_space<hbm>>
        %dma_start3A_72 = tpu.memref_slice %arg4[%add3A_70] : memref<320000xi32, #tpu.memory_space<hbm>> -> memref<80xi32, #tpu.memory_space<hbm>>
        tpu.enqueue_dma source(%dma_start3A_72 : memref<80xi32, #tpu.memory_space<hbm>>) target(%arg9 : memref<80xi32, #tpu.memory_space<vmem>>) target_semaphore(%arg15 : memref<!tpu.dma_semaphore, #tpu.memory_space<semaphore_mem>>)
        %dma_start3A_73 = tpu.memref_slice %arg5[%add3A_70] : memref<320000xi32, #tpu.memory_space<hbm>> -> memref<80xi32, #tpu.memory_space<hbm>>
        %dma_start3A_74 = tpu.memref_slice %arg5[%add3A_70] : memref<320000xi32, #tpu.memory_space<hbm>> -> memref<80xi32, #tpu.memory_space<hbm>>
        tpu.enqueue_dma source(%dma_start3A_74 : memref<80xi32, #tpu.memory_space<hbm>>) target(%arg10 : memref<80xi32, #tpu.memory_space<vmem>>) target_semaphore(%arg15 : memref<!tpu.dma_semaphore, #tpu.memory_space<semaphore_mem>>)
        %dma_wait3A_75 = arith.constant 0 : i32
        %dma_wait3A_76 = tpu.memref_slice %arg4[%dma_wait3A_75] : memref<320000xi32, #tpu.memory_space<hbm>> -> memref<80xi32, #tpu.memory_space<hbm>>
        %dma_wait3A_77 = arith.constant 0 : i32
        %dma_wait3A_78 = tpu.memref_slice %arg4[%dma_wait3A_77] : memref<320000xi32, #tpu.memory_space<hbm>> -> memref<80xi32, #tpu.memory_space<hbm>>
        tpu.wait_dma2 semaphore(%arg15 : memref<!tpu.dma_semaphore, #tpu.memory_space<semaphore_mem>>) src(%dma_wait3A_78 : memref<80xi32, #tpu.memory_space<hbm>>) dst(%arg9 : memref<80xi32, #tpu.memory_space<vmem>>)
        %dma_wait3A_79 = arith.constant 0 : i32
        %dma_wait3A_80 = tpu.memref_slice %arg5[%dma_wait3A_79] : memref<320000xi32, #tpu.memory_space<hbm>> -> memref<80xi32, #tpu.memory_space<hbm>>
        %dma_wait3A_81 = arith.constant 0 : i32
        %dma_wait3A_82 = tpu.memref_slice %arg5[%dma_wait3A_81] : memref<320000xi32, #tpu.memory_space<hbm>> -> memref<80xi32, #tpu.memory_space<hbm>>
        tpu.wait_dma2 semaphore(%arg15 : memref<!tpu.dma_semaphore, #tpu.memory_space<semaphore_mem>>) src(%dma_wait3A_82 : memref<80xi32, #tpu.memory_space<hbm>>) dst(%arg10 : memref<80xi32, #tpu.memory_space<vmem>>)
        %dma_start3A_83 = arith.constant 0 : i32
        %dma_start3A_84 = arith.constant 0 : i32
        %dma_start3A_85 = tpu.memref_slice %arg2[%dma_start3A_83, %dma_start3A_84] : memref<10000x128xf32, #tpu.memory_space<hbm>> -> memref<10000x128xf32, #tpu.memory_space<hbm>>
        tpu.enqueue_indirect_dma source(%dma_start3A_85 : memref<10000x128xf32, #tpu.memory_space<hbm>>) target(%arg13 : memref<80x128xf32, #tpu.memory_space<vmem>>) offsets(%arg9 : memref<80xi32, #tpu.memory_space<vmem>>) semaphore(%arg17 : memref<!tpu.dma_semaphore, #tpu.memory_space<semaphore_mem>>)
      } else {
      }
      %dma_wait3A_58 = arith.constant 0 : i32
      %dma_wait3A_59 = arith.constant 0 : i32
      %dma_wait3A_60 = tpu.memref_slice %arg2[%dma_wait3A_58, %dma_wait3A_59] : memref<10000x128xf32, #tpu.memory_space<hbm>> -> memref<10000x128xf32, #tpu.memory_space<hbm>>
      tpu.wait_indirect_dma semaphore(%arg18 : memref<!tpu.dma_semaphore, #tpu.memory_space<semaphore_mem>>) src(%dma_wait3A_60 : memref<10000x128xf32, #tpu.memory_space<hbm>>) dst(%arg14 : memref<80x128xf32, #tpu.memory_space<vmem>>)
      "tpu.region"() ({
        %run_scoped3A = tpu.sem_alloc : memref<!tpu.dma_semaphore, #tpu.memory_space<semaphore_mem>>
        %dma_start3A_64 = arith.constant 0 : i32
        %dma_start3A_65 = arith.constant 0 : i32
        %dma_start3A_66 = tpu.memref_slice %arg8[%dma_start3A_64, %dma_start3A_65] : memref<10008x128xf32, #tpu.memory_space<vmem_shared>> -> memref<10008x128xf32, #tpu.memory_space<vmem_shared>>
        tpu.enqueue_indirect_dma source(%arg14 : memref<80x128xf32, #tpu.memory_space<vmem>>) target(%dma_start3A_66 : memref<10008x128xf32, #tpu.memory_space<vmem_shared>>) offsets(%arg12 : memref<80xi32, #tpu.memory_space<vmem>>) semaphore(%run_scoped3A : memref<!tpu.dma_semaphore, #tpu.memory_space<semaphore_mem>>) {add = true}
        %dma_wait3A_67 = arith.constant 0 : i32
        %dma_wait3A_68 = arith.constant 0 : i32
        %dma_wait3A_69 = tpu.memref_slice %arg8[%dma_wait3A_67, %dma_wait3A_68] : memref<10008x128xf32, #tpu.memory_space<vmem_shared>> -> memref<10008x128xf32, #tpu.memory_space<vmem_shared>>
        tpu.wait_indirect_dma semaphore(%run_scoped3A : memref<!tpu.dma_semaphore, #tpu.memory_space<semaphore_mem>>) src(%arg14 : memref<80x128xf32, #tpu.memory_space<vmem>>) dst(%dma_wait3A_69 : memref<10008x128xf32, #tpu.memory_space<vmem_shared>>)
        tpu.yield
      }) : () -> ()
      %convert_element_type3A_61 = arith.extui %lt3A_40 : i1 to i32
      %cond3A_62 = arith.constant 0 : i32
      %cond3A_63 = arith.cmpi ne, %convert_element_type3A_61, %cond3A_62 : i32
      scf.if %cond3A_63 {
        %mul3A_64 = arith.constant 2 : i32
        %mul3A_65 = arith.muli %mul3A_64, %add3A_39 : i32
        %add3A_66 = arith.constant 3 : i32
        %add3A_67 = arith.addi %mul3A_65, %add3A_66 : i32
        %mul3A_68 = arith.constant 80 : i32
        %mul3A_69 = arith.muli %add3A_67, %mul3A_68 : i32
        %add3A_70 = arith.addi %mul3A_4, %mul3A_69 : i32
        %dma_start3A_71 = tpu.memref_slice %arg4[%add3A_70] : memref<320000xi32, #tpu.memory_space<hbm>> -> memref<80xi32, #tpu.memory_space<hbm>>
        %dma_start3A_72 = tpu.memref_slice %arg4[%add3A_70] : memref<320000xi32, #tpu.memory_space<hbm>> -> memref<80xi32, #tpu.memory_space<hbm>>
        tpu.enqueue_dma source(%dma_start3A_72 : memref<80xi32, #tpu.memory_space<hbm>>) target(%arg11 : memref<80xi32, #tpu.memory_space<vmem>>) target_semaphore(%arg16 : memref<!tpu.dma_semaphore, #tpu.memory_space<semaphore_mem>>)
        %dma_start3A_73 = tpu.memref_slice %arg5[%add3A_70] : memref<320000xi32, #tpu.memory_space<hbm>> -> memref<80xi32, #tpu.memory_space<hbm>>
        %dma_start3A_74 = tpu.memref_slice %arg5[%add3A_70] : memref<320000xi32, #tpu.memory_space<hbm>> -> memref<80xi32, #tpu.memory_space<hbm>>
        tpu.enqueue_dma source(%dma_start3A_74 : memref<80xi32, #tpu.memory_space<hbm>>) target(%arg12 : memref<80xi32, #tpu.memory_space<vmem>>) target_semaphore(%arg16 : memref<!tpu.dma_semaphore, #tpu.memory_space<semaphore_mem>>)
      } else {
      }
    }
    %scan3A_28 = arith.constant 125 : i32
    %barrier3A_29 = arith.constant 0 : index
    tpu.barrier barrier_id(%barrier3A_29)
    "tpu.region"() ({
      %run_scoped3A = tpu.sem_alloc : memref<!tpu.dma_semaphore, #tpu.memory_space<semaphore_mem>>
      %dma_start3A_35 = arith.constant 0 : i32
      %dma_start3A_36 = tpu.memref_slice %arg7[%mul3A_0, %dma_start3A_35] : memref<10000x128xf32, #tpu.memory_space<hbm>> -> memref<624x128xf32, #tpu.memory_space<hbm>>
      %dma_start3A_37 = arith.constant 0 : i32
      %dma_start3A_38 = tpu.memref_slice %arg8[%mul3A_0, %dma_start3A_37] : memref<10008x128xf32, #tpu.memory_space<vmem_shared>> -> memref<624x128xf32, #tpu.memory_space<vmem_shared>>
      tpu.enqueue_dma source(%dma_start3A_38 : memref<624x128xf32, #tpu.memory_space<vmem_shared>>) target(%dma_start3A_36 : memref<624x128xf32, #tpu.memory_space<hbm>>) target_semaphore(%run_scoped3A : memref<!tpu.dma_semaphore, #tpu.memory_space<semaphore_mem>>)
      %dma_wait3A_39 = arith.constant 0 : i32
      %dma_wait3A_40 = tpu.memref_slice %arg7[%mul3A_0, %dma_wait3A_39] : memref<10000x128xf32, #tpu.memory_space<hbm>> -> memref<624x128xf32, #tpu.memory_space<hbm>>
      %dma_wait3A_41 = arith.constant 0 : i32
      %dma_wait3A_42 = tpu.memref_slice %arg8[%mul3A_0, %dma_wait3A_41] : memref<10008x128xf32, #tpu.memory_space<vmem_shared>> -> memref<624x128xf32, #tpu.memory_space<vmem_shared>>
      tpu.wait_dma2 semaphore(%run_scoped3A : memref<!tpu.dma_semaphore, #tpu.memory_space<semaphore_mem>>) src(%dma_wait3A_42 : memref<624x128xf32, #tpu.memory_space<vmem_shared>>) dst(%dma_wait3A_40 : memref<624x128xf32, #tpu.memory_space<hbm>>)
      tpu.yield
    }) : () -> ()
    %eq3A_30 = arith.constant 15 : i32
    %eq3A_31 = arith.cmpi eq, %arg1, %eq3A_30 : i32
    %convert_element_type3A_32 = arith.extui %eq3A_31 : i1 to i32
    %cond3A_33 = arith.constant 0 : i32
    %cond3A_34 = arith.cmpi ne, %convert_element_type3A_32, %cond3A_33 : i32
    scf.if %cond3A_34 {
      "tpu.region"() ({
        %run_scoped3A = tpu.sem_alloc : memref<!tpu.dma_semaphore, #tpu.memory_space<semaphore_mem>>
        %dma_start3A_35 = arith.constant 9984 : i32
        %dma_start3A_36 = arith.constant 0 : i32
        %dma_start3A_37 = tpu.memref_slice %arg7[%dma_start3A_35, %dma_start3A_36] : memref<10000x128xf32, #tpu.memory_space<hbm>> -> memref<16x128xf32, #tpu.memory_space<hbm>>
        %dma_start3A_38 = arith.constant 9984 : i32
        %dma_start3A_39 = arith.constant 0 : i32
        %dma_start3A_40 = tpu.memref_slice %arg8[%dma_start3A_38, %dma_start3A_39] : memref<10008x128xf32, #tpu.memory_space<vmem_shared>> -> memref<16x128xf32, #tpu.memory_space<vmem_shared>>
        tpu.enqueue_dma source(%dma_start3A_40 : memref<16x128xf32, #tpu.memory_space<vmem_shared>>) target(%dma_start3A_37 : memref<16x128xf32, #tpu.memory_space<hbm>>) target_semaphore(%run_scoped3A : memref<!tpu.dma_semaphore, #tpu.memory_space<semaphore_mem>>)
        %dma_wait3A_41 = arith.constant 9984 : i32
        %dma_wait3A_42 = arith.constant 0 : i32
        %dma_wait3A_43 = tpu.memref_slice %arg7[%dma_wait3A_41, %dma_wait3A_42] : memref<10000x128xf32, #tpu.memory_space<hbm>> -> memref<16x128xf32, #tpu.memory_space<hbm>>
        %dma_wait3A_44 = arith.constant 9984 : i32
        %dma_wait3A_45 = arith.constant 0 : i32
        %dma_wait3A_46 = tpu.memref_slice %arg8[%dma_wait3A_44, %dma_wait3A_45] : memref<10008x128xf32, #tpu.memory_space<vmem_shared>> -> memref<16x128xf32, #tpu.memory_space<vmem_shared>>
        tpu.wait_dma2 semaphore(%run_scoped3A : memref<!tpu.dma_semaphore, #tpu.memory_space<semaphore_mem>>) src(%dma_wait3A_46 : memref<16x128xf32, #tpu.memory_space<vmem_shared>>) dst(%dma_wait3A_43 : memref<16x128xf32, #tpu.memory_space<hbm>>)
        tpu.yield
      }) : () -> ()
    } else {
    }
    return
  }
}

module attributes {stable_mosaic.version = 14 : i64} {
  func.func @body(%arg0: i32, %arg1: memref<1000x128xf32, #tpu.memory_space<vmem>>, %arg2: memref<128x128xf32, #tpu.memory_space<vmem>>, %arg3: memref<1x128xf32, #tpu.memory_space<vmem>>, %arg4: memref<128x128xf32, #tpu.memory_space<vmem>>, %arg5: memref<1x128xf32, #tpu.memory_space<vmem>>, %arg6: memref<1000x128xf32, #tpu.memory_space<vmem>>, %arg7: memref<1000x128xf32, #tpu.memory_space<vmem>>) attributes {dimension_semantics = [#tpu.dimension_semantics<arbitrary>], iteration_bounds = array<i64: 10>, scalar_prefetch = 0 : i64, scratch_operands = 0 : i64, tpu.core_type = #tpu.core_type<tc>, window_params = [{transform_indices = @transform_0, window_bounds = array<i64: 1000, 128>}, {pipeline_mode = #tpu.pipeline_mode<synchronous>, transform_indices = @transform_1, window_bounds = array<i64: 128, 128>}, {pipeline_mode = #tpu.pipeline_mode<synchronous>, transform_indices = @transform_2, window_bounds = array<i64: 1, 128>}, {pipeline_mode = #tpu.pipeline_mode<synchronous>, transform_indices = @transform_3, window_bounds = array<i64: 128, 128>}, {pipeline_mode = #tpu.pipeline_mode<synchronous>, transform_indices = @transform_4, window_bounds = array<i64: 1, 128>}, {transform_indices = @transform_5, window_bounds = array<i64: 1000, 128>}, {transform_indices = @transform_6, window_bounds = array<i64: 1000, 128>}]} {
    %get3A = arith.constant 0 : index
    %get3A_0 = arith.constant 0 : index
    %get3A_1 = vector.load %arg2[%get3A, %get3A_0] : memref<128x128xf32, #tpu.memory_space<vmem>>, vector<128x128xf32>
    %get3A_2 = arith.constant 0 : index
    %get3A_3 = arith.constant 0 : index
    %get3A_4 = vector.load %arg4[%get3A_2, %get3A_3] : memref<128x128xf32, #tpu.memory_space<vmem>>, vector<128x128xf32>
    %dot_general3A = arith.constant dense<0.000000e+00> : vector<128x128xf32>
    %dot_general3A_5 = tpu.matmul %get3A_1, %get3A_4, %dot_general3A {dimension_numbers = #tpu.dot_dimension_numbers<[1], [0], [0], [1], [0, 0, 1, 1], [], []>, transpose_lhs_hint = false} : vector<128x128xf32>, vector<128x128xf32>, vector<128x128xf32> -> vector<128x128xf32>
    %get3A_6 = arith.constant 0 : index
    %get3A_7 = arith.constant 0 : index
    %get3A_8 = vector.load %arg3[%get3A_6, %get3A_7] : memref<1x128xf32, #tpu.memory_space<vmem>>, vector<1x128xf32>
    %get3A_9 = arith.constant 0 : index
    %get3A_10 = arith.constant 0 : index
    %get3A_11 = vector.load %arg4[%get3A_9, %get3A_10] : memref<128x128xf32, #tpu.memory_space<vmem>>, vector<128x128xf32>
    %dot_general3A_12 = arith.constant dense<0.000000e+00> : vector<1x128xf32>
    %dot_general3A_13 = tpu.matmul %get3A_8, %get3A_11, %dot_general3A_12 {dimension_numbers = #tpu.dot_dimension_numbers<[1], [0], [0], [1], [0, 0, 1, 1], [], []>, transpose_lhs_hint = false} : vector<1x128xf32>, vector<128x128xf32>, vector<1x128xf32> -> vector<1x128xf32>
    %get3A_14 = arith.constant 0 : index
    %get3A_15 = arith.constant 0 : index
    %get3A_16 = vector.load %arg5[%get3A_14, %get3A_15] : memref<1x128xf32, #tpu.memory_space<vmem>>, vector<1x128xf32>
    %add3A = arith.addf %dot_general3A_13, %get3A_16 : vector<1x128xf32>
    %get3A_17 = arith.constant 0 : index
    %get3A_18 = arith.constant 0 : index
    %get3A_19 = vector.load %arg1[%get3A_17, %get3A_18] : memref<1000x128xf32, #tpu.memory_space<vmem>>, vector<1000x128xf32>
    %dot_general3A_20 = arith.constant dense<0.000000e+00> : vector<1000x128xf32>
    %dot_general3A_21 = tpu.matmul %get3A_19, %dot_general3A_5, %dot_general3A_20 {dimension_numbers = #tpu.dot_dimension_numbers<[1], [0], [0], [1], [0, 0, 1, 1], [], []>, transpose_lhs_hint = false} : vector<1000x128xf32>, vector<128x128xf32>, vector<1000x128xf32> -> vector<1000x128xf32>
    %swap3A = arith.constant 0 : index
    %swap3A_22 = arith.constant 0 : index
    %swap3A_23 = vector.load %arg6[%swap3A, %swap3A_22] : memref<1000x128xf32, #tpu.memory_space<vmem>>, vector<1000x128xf32>
    tpu.vector_store %arg6[%swap3A, %swap3A_22], %dot_general3A_21 {strides = array<i32>} : memref<1000x128xf32, #tpu.memory_space<vmem>>, vector<1000x128xf32>,
    %add3A_24 = vector.broadcast %add3A : vector<1x128xf32> to vector<1000x128xf32>
    %add3A_25 = arith.addf %dot_general3A_21, %add3A_24 : vector<1000x128xf32>
    %swap3A_26 = arith.constant 0 : index
    %swap3A_27 = arith.constant 0 : index
    %swap3A_28 = vector.load %arg7[%swap3A_26, %swap3A_27] : memref<1000x128xf32, #tpu.memory_space<vmem>>, vector<1000x128xf32>
    tpu.vector_store %arg7[%swap3A_26, %swap3A_27], %add3A_25 {strides = array<i32>} : memref<1000x128xf32, #tpu.memory_space<vmem>>, vector<1000x128xf32>,
    return
  }
  func.func @transform_0(%arg0: i32) -> (i32, i32) {
    %c0_i32 = arith.constant 0 : i32
    %c0_i32_0 = arith.constant 0 : i32
    return %arg0, %c0_i32 : i32, i32
  }
  func.func @transform_1(%arg0: i32) -> (i32, i32) {
    %c0_i32 = arith.constant 0 : i32
    %c0_i32_0 = arith.constant 0 : i32
    %c0_i32_1 = arith.constant 0 : i32
    return %c0_i32, %c0_i32_0 : i32, i32
  }
  func.func @transform_2(%arg0: i32) -> (i32, i32) {
    %c0_i32 = arith.constant 0 : i32
    %c0_i32_0 = arith.constant 0 : i32
    %c0_i32_1 = arith.constant 0 : i32
    return %c0_i32, %c0_i32_0 : i32, i32
  }
  func.func @transform_3(%arg0: i32) -> (i32, i32) {
    %c0_i32 = arith.constant 0 : i32
    %c0_i32_0 = arith.constant 0 : i32
    %c0_i32_1 = arith.constant 0 : i32
    return %c0_i32, %c0_i32_0 : i32, i32
  }
  func.func @transform_4(%arg0: i32) -> (i32, i32) {
    %c0_i32 = arith.constant 0 : i32
    %c0_i32_0 = arith.constant 0 : i32
    %c0_i32_1 = arith.constant 0 : i32
    return %c0_i32, %c0_i32_0 : i32, i32
  }
  func.func @transform_5(%arg0: i32) -> (i32, i32) {
    %c0_i32 = arith.constant 0 : i32
    %c0_i32_0 = arith.constant 0 : i32
    return %arg0, %c0_i32 : i32, i32
  }
  func.func @transform_6(%arg0: i32) -> (i32, i32) {
    %c0_i32 = arith.constant 0 : i32
    %c0_i32_0 = arith.constant 0 : i32
    return %arg0, %c0_i32 : i32, i32
  }
}

</mosaic_0001>

<sc_bundles>
// kernel: kernel.4.cloned.1.call-start
scs
__scs_entry_jumppad:
0x0: {  	(pc) =	sbr.rel $0x88, $3  }
0x1: {  	(tag) =	ssettag $0x0;
	lr =	simm.s32 $0x1  }
0x2: {  	[smem:$0x3F9B] =	sst lr;
	_ =	strace $0xD0000000  }
0x3: {  	_ = 	snop  }
0x4: {  	_ = 	snop  }
0x5: {  	_ = 	snop  }
0x6: {  	_ = 	snop  }
0x7: {  	_ = 	snop  }
__scs_overlays_trampoline_lowered:
0x8: {  	[smem:$0x3FAA] =	sst s0  }
0x9: {  	[smem:$0x3FAB] =	sst s1  }
0xa: {  	[smem:$0x3FAC] =	sst s2  }
0xb: {  	[smem:$0x3FAD] =	sst s3  }
0xc: {  	[smem:$0x3FAE] =	sst s4  }
0xd: {  	[smem:$0x3FAF] =	sst s5  }
0xe: {  	[smem:$0x3FB0] =	sst s6  }
0xf: {  	[smem:$0x3FB1] =	sst s7  }
0x10: {  	[smem:$0x3FB2] =	sst s8  }
0x11: {  	[smem:$0x3FB3] =	sst s9;
	s0 =	simm.s32 @!p0 $0x0  }
0x12: {  	s1 =	sld [smem:$0x3F99];
	s0 =	simm.s32 @p0 $0x1  }
0x13: {  	[smem:$0x3FB4] =	sst s0;
	s0 =	simm.s32 @!p1 $0x0  }
0x14: {  	s2 =	sld [smem:$0x3F98];
	s0 =	simm.s32 @p1 $0x1  }
0x15: {  	[smem:$0x3FB5] =	sst s0;
	s0 =	simm.s32 @!p2 $0x0  }
0x16: {  	s3 =	sld [smem:$0x3FDB];
	s0 =	simm.s32 @p2 $0x1  }
0x17: {  	s4 =	simm.s32 $0x1BF5;
	[smem:$0x3FB7] =	sst s0  }
0x18: {  	s0 =	sld [smem:$0x3F9A];
	_ =	swait.ge [sflag:s4], $0x0  }
0x19: {  	s7 =	sld [smem:$0x3F9B]  }
0x1a: {  	s8 =	sadd.s32 $0xFFFFE003, lr  }
0x1b: {  	s9 =	sadd.s32 $0xFFFFFEF7, lr;
	s5 =	simm.s32 $0xFFFFFFFF;
	p2 =	slt.u32 s8, $0xFFFFF086  }
0x1c: {  	p1 =	slt.u32 s9, $0xF7A;
	s5 =	simm.s32 @!p2 $0x0  }
0x1d: {  	s5 =	simm.s32 @p1 $0x1;
	p0 =	seq.s32 s7, s2  }
0x1e: {  	s7 =	smul.u32 @!p0 $0xF7A, s2;
	p2 =	seq.s32 @!p0 s5, $0x0  }
0x1f: {  	s9 =	smul.u32 $0xF7A, s1;
	s8 =	simm.s32 @!p0 $0x1BF5;
	p2 =	por !p2, p0  }
0x20: {  	[sflag:s8] =	ssyncset.s32 @!p0 $0xFFFFF086;
	s6 =	sadd.s32 @!p0 s3, s7;
	s7 =	simm.s32 @!p0 $0x108  }
0x21: {  	s3 =	sadd.s32 s3, s9;
	s6 =	sadd.s32 @!p0 $0x88, s6;
	s7 =	simm.s32 @p2 $0x1082  }
0x22: {  	[simem:s7], [sflag:s8] =	dma.local @!p0 [hbm:s6], $0xF7A  }
0x23: {  	s9 =	sor.u32 $0xD0000000, s2;
	s6 =	simm.s32 $0x108;
	_ =	swait.ge @!p0 [sflag:s8], $0x0  }
0x24: {  	s3 =	sadd.s32 $0x88, s3;
	s6 =	simm.s32 @!p1 $0x1082;
	[sflag:s4] =	ssyncset.s32 $0xFFFFF086  }
0x25: {  	[simem:s6], [sflag:s4] =	dma.local [hbm:s3], $0xF7A  }
0x26: {  	[smem:$0x3F9B] =	sst s1;
	(tag) =	ssettag s2;
	_ =	strace s9  }
0x27: {  	s1 =	sld [smem:$0x3FAB]  }
0x28: {  	s2 =	sld [smem:$0x3FAC]  }
0x29: {  	s4 =	sld [smem:$0x3FAE]  }
0x2a: {  	p0 =	seq.s32 s5, $0x0;
	s5 =	sld [smem:$0x3FAF]  }
0x2b: {  	s6 =	sld [smem:$0x3FB0]  }
0x2c: {  	s7 =	sld [smem:$0x3FB1]  }
0x2d: {  	s3 =	simm.s32 $0x108;
	s8 =	sld [smem:$0x3FB2]  }
0x2e: {  	s3 =	simm.s32 @!p0 $0x1082;
	s9 =	sld [smem:$0x3FB3]  }
0x2f: {  	lr =	sadd.s32 s0, s3;
	s0 =	sld [smem:$0x3FAA]  }
0x30: {  	s3 =	sld [smem:$0x3FAD]  }
0x31: {  	[smem:$0x3FB6] =	sst s10  }
0x32: {  	s10 =	sld [smem:$0x3FB4];
	_ =	sdelay $0x3  }
0x33: {  	p0 =	seq.s32 s10, $0x1;
	s10 =	sld [smem:$0x3FB6];
	_ =	sdelay $0x3  }
0x34: {  	[smem:$0x3FB6] =	sst s10  }
0x35: {  	s10 =	sld [smem:$0x3FB5];
	_ =	sdelay $0x3  }
0x36: {  	p1 =	seq.s32 s10, $0x1;
	s10 =	sld [smem:$0x3FB6];
	_ =	sdelay $0x3  }
0x37: {  	[smem:$0x3FB6] =	sst s10  }
0x38: {  	s10 =	sld [smem:$0x3FB7]  }
0x39: {  	_ = 	snop;
	(pc) =	sbr.ind lr, $3  }
0x3a: {  	_ = 	snop  }
0x3b: {  	_ = 	snop  }
0x3c: {  	p2 =	seq.s32 s10, $0x1;
	s10 =	sld [smem:$0x3FB6]  }
0x3d: {  	_ =	shalt  }
0x3e: {  	_ =	shalt  }
0x3f: {  	_ =	shalt  }
0x40: {  	_ =	shalt  }
0x41: {  	_ =	shalt  }
0x42: {  	_ =	shalt  }
0x43: {  	_ =	shalt  }
0x44: {  	_ =	shalt  }
0x45: {  	_ =	shalt  }
0x46: {  	_ =	shalt  }
0x47: {  	_ =	shalt  }
0x48: {  	_ =	shalt  }
0x49: {  	_ =	shalt  }
0x4a: {  	_ =	shalt  }
0x4b: {  	_ =	shalt  }
0x4c: {  	_ =	shalt  }
0x4d: {  	_ =	shalt  }
0x4e: {  	_ =	shalt  }
0x4f: {  	_ =	shalt  }
0x50: {  	_ =	shalt  }
0x51: {  	_ =	shalt  }
0x52: {  	_ =	shalt  }
0x53: {  	_ =	shalt  }
0x54: {  	_ =	shalt  }
0x55: {  	_ =	shalt  }
0x56: {  	_ =	shalt  }
0x57: {  	_ =	shalt  }
0x58: {  	_ =	shalt  }
0x59: {  	_ =	shalt  }
0x5a: {  	_ =	shalt  }
0x5b: {  	_ =	shalt  }
0x5c: {  	_ =	shalt  }
0x5d: {  	_ =	shalt  }
0x5e: {  	_ =	shalt  }
0x5f: {  	_ =	shalt  }
0x60: {  	_ =	shalt  }
0x61: {  	_ =	shalt  }
0x62: {  	_ =	shalt  }
0x63: {  	_ =	shalt  }
0x64: {  	_ =	shalt  }
0x65: {  	_ =	shalt  }
0x66: {  	_ =	shalt  }
0x67: {  	_ =	shalt  }
0x68: {  	_ =	shalt  }
0x69: {  	_ =	shalt  }
0x6a: {  	_ =	shalt  }
0x6b: {  	_ =	shalt  }
0x6c: {  	_ =	shalt  }
0x6d: {  	_ =	shalt  }
0x6e: {  	_ =	shalt  }
0x6f: {  	_ =	shalt  }
0x70: {  	_ =	shalt  }
0x71: {  	_ =	shalt  }
0x72: {  	_ =	shalt  }
0x73: {  	_ =	shalt  }
0x74: {  	_ =	shalt  }
0x75: {  	_ =	shalt  }
0x76: {  	_ =	shalt  }
0x77: {  	_ =	shalt  }
0x78: {  	_ =	shalt  }
0x79: {  	_ =	shalt  }
0x7a: {  	_ =	shalt  }
0x7b: {  	_ =	shalt  }
0x7c: {  	_ =	shalt  }
0x7d: {  	_ =	shalt  }
0x7e: {  	_ =	shalt  }
0x7f: {  	_ =	shalt  }
0x80: {  	_ =	shalt  }
0x81: {  	_ =	shalt  }
0x82: {  	_ =	shalt  }
0x83: {  	_ =	shalt  }
0x84: {  	_ =	shalt  }
0x85: {  	_ =	shalt  }
0x86: {  	_ =	shalt  }
0x87: {  	_ =	shalt  }
.Lfunc_end0:
.L_simem_size_0:
called_computation_lowered:
.L_overlay_start_0:
0x88: {  	s0 =	sld [smem:$0x3FD9]  }
0x89: {  	s1 =	sld [smem:$0x3FFE];
	_ =	sdelay $0x3  }
0x8a: {  	s0 =	sadd.s32 s1, s0  }
0x8b: {  	[smem:$0x3FC2] =	sst s0  }
0x8c: {  	_ = 	snop  }
0x8d: {  	s0 =	sld [smem:$0x3FD0];
	(tm) =	ssettm $0x1  }
0x8e: {  	s16 =	sld [smem:$0x3FFB];
	_ =	sdelay $0x3  }
0x8f: {  	_ =	strace s16  }
0x90: {  	s1 =	sld [smem:$0x3FFC];
	_ =	sdelay $0x3  }
0x91: {  	_ =	strace s1  }
0x92: {  	s1 =	sld [smem:$0x3FFD];
	_ =	sdelay $0x3  }
0x93: {  	_ =	strace s1  }
0x94: {  	_ =	strace $0x8FFFFFFF  }
0x95: {  	s17 =	sld [smem:$0x3FDB];
	_ =	sdelay $0x1  }
0x96: {  	s2 =	simm.s32 $_scs_section_size  }
0x97: {  	s3 =	simm.s32 $_size__tile_overlayer_lowered;
	s4 =	simm.s32 $_tile_overlayer_lowered  }
0x98: {  	s20 =	simm.s32 $0x1BFF;
	s19 =	sshll.u32 s4, $0x1;
	s1 =	sadd.s32 s2, s17  }
0x99: {  	s5 =	simm.s32 $0x0;
	s18 =	sshll.u32 s3, $0x1;
	s3 =	sadd.s32 s19, s1  }
0x9a: {  	[timem:s5], [sflag:s20] =	dma.local [hbm:s3], s18  }
0x9b: {  	_ =	swait.ge [sflag:s20], s18  }
0x9c: {  	s2 =	ssub.s32 $0x0, s18;
	[sflag:s20] =	ssyncset.done $0x0  }
0x9d: {  	[sflag:s20] =	ssyncadd.s32 s2;
	_ =	sdelay $0x1  }
0x9e: {  	s21 =	simm.s32 $0x1B8B  }
0x9f: {  	_ =	swait.ge [sflag:s21], $0x1  }
0xa0: {  	[sflag:s21] =	ssyncset.done $0x0  }
0xa1: {  	s23 =	simm.s32 $0x1B8E;
	s22 =	sld [smem:$0x3FFE];
	[sflag:s21] =	ssyncadd.s32 $0xFFFFFFFF  }
0xa2: {  	s24 =	simm.s32 $execute0_lowered;
	[smem:$0x3FD2] =	sst s23  }
0xa3: {  	s3 =	sshll.u32 s24, $0x1;
	_ =	strace $0x80000046;
	[dreg:$0x1] =	wrdreg $0xFFFFFFFF  }
0xa4: {  	s25 =	simm.s32 $_size_execute0_lowered;
	s1 =	sadd.s32 s1, s3;
	[dreg:$0x0] =	wrdreg $0x0  }
0xa5: {  	s3 =	sshll.u32 s25, $0x1;
	[dreg:$0x2] =	wrdreg s1  }
0xa6: {  	[dreg:$0x3] =	wrdreg s3  }
0xa7: {  	[dreg:$0x4] =	wrdreg $0xC0  }
0xa8: {  	_ =	task [dreg:s5], $0x5FFFF  }
0xa9: {  	[dreg:$0x1] =	wrdreg $0xFFFFFFFF  }
0xaa: {  	[dreg:$0x0] =	wrdreg $0x60  }
0xab: {  	[dreg:$0x2] =	wrdreg s22  }
0xac: {  	[dreg:$0x3] =	wrdreg s0  }
0xad: {  	[dreg:$0x4] =	wrdreg $0x0  }
0xae: {  	[dreg:$0x5] =	wrdreg $0x9  }
0xaf: {  	_ =	task.clear_ibuf [dreg:s5], $0x6FFFF;
	_ =	strace $0x90000046  }
0xb0: {  	s26 =	simm.s32 $0x9;
	_ =	strace $0x80000048  }
0xb1: {  	_ =	swait.ge [sflag:s26], $0x1  }
0xb2: {  	[sflag:s26] =	ssyncadd.s32 $0xFFFFFFFF  }
0xb3: {  	_ =	strace $0x90000048  }
0xb4: {  	_ =	sfence  }
0xb5: {  	s28 =	sld [smem:$0x0];
	_ =	sdelay $0x1  }
0xb6: {  	s29 =	srdreg.scid  }
0xb7: {  	s30 =	sshll.u32 s29, $0xD;
	s31 =	sshrl.u32 s29, $0x2  }
0xb8: {  	s2 =	sand.u32 $0x4000, s30;
	s1 =	sand.u32 $0x1, s29;
	s0 =	sadd.s32 s31, s28  }
0xb9: {  	s1 =	sor.u32 s2, s1;
	s0 =	sshll.u32 s0, $0x11  }
0xba: {  	s0 =	sor.u32 s0, s1  }
0xbb: {  	s0 =	sadd.s32 $0x8F2B, s0  }
0xbc: {  	[sflag:s0] =	ssyncadd.remote.s32 $0x1  }
0xbd: {  	_ =	sfence.sel $0xFFFF  }
0xbe: {  	[dreg:$0x0] =	wrdreg $0xFFFFFFFF;
	(pc) =	sbr.abs _section_cstart, $3  }
0xbf: {  	[dreg:$0x1] =	wrdreg $0xFFFFFFFF  }
0xc0: {  	_ =	task.clear_ibuf [dreg:s5], $0x2FFFF;
	_ =	strace $0x9FFFFFFF  }
0xc1: {  	(tm) =	ssettm $0x7FFFFFFF  }
tec
execute0_lowered:
.L_overlay_start_1:
0x0: {  	(tag) =	ssettag $0x1  }
0x1: {  	s18 =	rddreg [dreg:$0x0]  }
0x2: {  	s22 =	rddreg [dreg:$0x1]  }
0x3: {  	s2 =	rddreg [dreg:$0x2];
	s1 =	stileid.u32  }
0x4: {  	s0 =	rddreg [dreg:$0x3];
	s6 =	simm.s32 $0x0;
	s3 =	smul.u32 $0x4E000, s1  }
0x5: {  	[smem:$0x7FF] =	sst s6  }
0x6: {  	s20 =	smul.u32 $0x2700, s1;
	s5 =	sadd.s32 $0x31600, s18;
	s3 =	sshrl.u32 s3, $0x2  }
0x7: {  	s24 =	sshll.u32 s1, $0x6;
	_ =	strace $0x80000047;
	s4 =	sadd.s32 s3, s2  }
0x8: {  	s7 =	sadd.s32 s5, s20;
	s3 =	sor.u32 $0x1C05, s24;
	s4 =	sshrl.u32 s4, $0x3  }
0x9: {  	[spmem:s4], [sflag:s3] =	dma.local [hbm:s7], $0x2700  }
0xa: {  	s7 =	simm.s32 $0x5  }
0xb: {  	p0 =	sne.s32 s1, $0xF;
	_ =	swait.ge [sflag:s7], $0x2700  }
0xc: {  	s8 =	sadd.s32 $0x138000, s2;
	s9 =	sadd.s32 @!p0 $0x27000, s5;
	[sflag:s7] =	ssyncset.done $0x0  }
0xd: {  	s5 =	sshrl.u32 @!p0 s8, $0x3;
	s8 =	simm.s32 @!p0 $0x5;
	[sflag:s7] =	ssyncadd.s32 $0xFFFFD900  }
0xe: {  	[spmem:s5], [sflag:s3] =	dma.local @!p0 [hbm:s9], $0x100  }
0xf: {  	s25 =	smul.u32 $0x4E20, s1;
	_ =	swait.ge @!p0 [sflag:s8], $0x100  }
0x10: {  	[sflag:s8] =	ssyncset.done @!p0 $0x0  }
0x11: {  	s21 =	sadd.s32 $0x600, s18;
	s9 =	sshrl.u32 s25, $0x3;
	[sflag:s8] =	ssyncadd.s32 @!p0 $0xFFFFFF00  }
0x12: {  	s10 =	sadd.s32 s21, s9;
	s8 =	simm.s32 $0x138C0;
	[bflag:$0x0] =	sbarrier.arrive $0xFFFF  }
0x13: {  	[tilespmem:s8], [sflag:$0x1] =	stream.linear.gather [hbm4b:s10+s6], $0x50, $0x38;
	[tilespmem:$0x18AC0] =	vst v63  }
0x14: {  	s26 =	sadd.s32 s22, s9;
	s12 =	sadd.s32 $0xA, s9;
	s9 =	simm.s32 $0x13940  }
0x15: {  	[tilespmem:s9], [sflag:$0x1] =	stream.linear.gather [hbm4b:s26+s6], $0x50, $0x38;
	[tilespmem:$0x18AC0] =	vst v63  }
0x16: {  	s11 =	simm.s32 $0x139C0;
	s28 =	sadd.s32 s21, s12  }
0x17: {  	[tilespmem:s11], [sflag:$0x2] =	stream.linear.gather [hbm4b:s28+s6], $0x50, $0x38;
	[tilespmem:$0x18AC0] =	vst v63  }
0x18: {  	s13 =	simm.s32 $0x1;
	s29 =	sadd.s32 s22, s12;
	s12 =	simm.s32 $0x13A40  }
0x19: {  	[tilespmem:s12], [sflag:$0x2] =	stream.linear.gather [hbm4b:s29+s6], $0x50, $0x38;
	[tilespmem:$0x18AC0] =	vst v63  }
0x1a: {  	_ =	swait.ge [sflag:s13], $0x50  }
0x1b: {  	[sflag:s13] =	ssyncset.done $0x0  }
0x1c: {  	[sflag:s13] =	ssyncadd.s32 $0xFFFFFFB0  }
0x1d: {  	_ =	swait.ge [sflag:s13], $0x50  }
0x1e: {  	s14 =	simm.s32 $0x50;
	s15 =	simm.s32 $0x13AC0;
	[sflag:s13] =	ssyncset.done $0x0  }
0x1f: {  	s16 =	simm.s32 $0x2;
	s10 =	sadd.s32 $0xA400, s18;
	[sflag:s13] =	ssyncadd.s32 $0xFFFFFFB0  }
0x20: {  	[tilespmem:s15], [sflag:$0x3] =	stream.indirect.gather [hbm4b:s10+s14], $0x80, s8, s14, $0xb8;
	[tilespmem:$0x18AC0] =	vst v63  }
0x21: {  	_ =	swait.ge [sflag:s16], $0x50  }
0x22: {  	[sflag:s16] =	ssyncset.done $0x0  }
0x23: {  	[sflag:s16] =	ssyncadd.s32 $0xFFFFFFB0  }
0x24: {  	_ =	swait.ge [sflag:s16], $0x50  }
0x25: {  	[sflag:s16] =	ssyncset.done $0x0  }
0x26: {  	s17 =	simm.s32 $0x162C0;
	s19 =	simm.s32 $0x3;
	[sflag:s16] =	ssyncadd.s32 $0xFFFFFFB0  }
0x27: {  	[tilespmem:s17], [sflag:$0x4] =	stream.indirect.gather [hbm4b:s10+s14], $0x80, s11, s14, $0xb8;
	[tilespmem:$0x18AC0] =	vst v63  }
0x28: {  	_ =	swait.ge [sflag:s19], $0x2800  }
0x29: {  	[sflag:s19] =	ssyncset.done $0x0  }
0x2a: {  	s23 =	smul.u32 $0x9C4, s1;
	[sflag:s19] =	ssyncadd.s32 $0xFFFFD800  }
0x2b: {  	[spmem:s2] =	stream.indirect.scatter.add.f32 [tilespmem:s15], [sflag:$0x5], $0x80, s9, s14, $0xb8;
	[tilespmem:$0x18AC0] =	vst v63  }
0x2c: {  	s21 =	sadd.s32 s23, s21;
	_ =	swait.ge [sflag:s7], $0x2800  }
0x2d: {  	s22 =	sadd.s32 s23, s22;
	s24 =	sadd.s32 $0xFFFFF650, s21;
	[sflag:s7] =	ssyncset.done $0x0  }
0x2e: {  	s25 =	sadd.s32 $0xFFFFF650, s22;
	s30 =	sadd.s32 $0x9C4, s24;
	[sflag:s7] =	ssyncadd.s32 $0xFFFFD800  }
0x2f: {  	[tilespmem:s8], [sflag:$0x1] =	stream.linear.gather [hbm4b:s30+s6], $0x50, $0x38;
	[tilespmem:$0x18AC0] =	vst v63  }
0x30: {  	s31 =	sadd.s32 $0x9C4, s25  }
0x31: {  	[tilespmem:s9], [sflag:$0x1] =	stream.linear.gather [hbm4b:s31+s6], $0x50, $0x38;
	[tilespmem:$0x18AC0] =	vst v63  }
0x32: {  	_ =	swait.ge [sflag:s13], $0x50  }
0x33: {  	[sflag:s13] =	ssyncset.done $0x0  }
0x34: {  	[sflag:s13] =	ssyncadd.s32 $0xFFFFFFB0  }
0x35: {  	_ =	swait.ge [sflag:s13], $0x50  }
0x36: {  	[sflag:s13] =	ssyncset.done $0x0  }
0x37: {  	s23 =	simm.s32 $0x4;
	[sflag:s13] =	ssyncadd.s32 $0xFFFFFFB0  }
0x38: {  	[tilespmem:s15], [sflag:$0x3] =	stream.indirect.gather [hbm4b:s10+s14], $0x80, s8, s14, $0xb8;
	[tilespmem:$0x18AC0] =	vst v63  }
0x39: {  	_ =	swait.ge [sflag:s23], $0x2800  }
0x3a: {  	[sflag:s23] =	ssyncset.done $0x0  }
0x3b: {  	[sflag:s23] =	ssyncadd.s32 $0xFFFFD800  }
0x3c: {  	[spmem:s2] =	stream.indirect.scatter.add.f32 [tilespmem:s17], [sflag:$0x5], $0x80, s12, s14, $0xb8;
	[tilespmem:$0x18AC0] =	vst v63  }
0x3d: {  	_ =	swait.ge [sflag:s7], $0x2800  }
0x3e: {  	s20 =	sadd.s32 s20, s18;
	[sflag:s7] =	ssyncset.done $0x0  }
0x3f: {  	s20 =	sadd.s32 $0x58E00, s20;
	s24 =	sadd.s32 $0x9CE, s24;
	[sflag:s7] =	ssyncadd.s32 $0xFFFFD800  }
0x40: {  	[tilespmem:s11], [sflag:$0x2] =	stream.linear.gather [hbm4b:s24+s6], $0x50, $0x38;
	[tilespmem:$0x18AC0] =	vst v63  }
0x41: {  	s25 =	sadd.s32 $0x9CE, s25;
	s18 =	sadd.s32 $0x7FE00, s18;
	s24 =	simm.s32 $0xFFFFF664  }
.LBB2_1:
0x42: {  	[tilespmem:s12], [sflag:$0x2] =	stream.linear.gather [hbm4b:s25+s6], $0x50, $0x38;
	[tilespmem:$0x18AC0] =	vst v63  }
0x43: {  	s25 =	smov.u32 s24  }
0x44: {  	p1 =	sne.s32 s24, $0xFFFFFFEC;
	s24 =	sadd.s32 $0x14, s24;
	_ =	swait.ge [sflag:s16], $0x50  }
0x45: {  	[sflag:s16] =	ssyncset.done $0x0  }
0x46: {  	[sflag:s16] =	ssyncadd.s32 $0xFFFFFFB0  }
0x47: {  	_ =	swait.ge [sflag:s16], $0x50  }
0x48: {  	[sflag:s16] =	ssyncset.done $0x0  }
0x49: {  	[sflag:s16] =	ssyncadd.s32 $0xFFFFFFB0  }
0x4a: {  	[tilespmem:s17], [sflag:$0x4] =	stream.indirect.gather [hbm4b:s10+s14], $0x80, s11, s14, $0xb8;
	[tilespmem:$0x18AC0] =	vst v63  }
0x4b: {  	_ =	swait.ge [sflag:s19], $0x2800  }
0x4c: {  	[sflag:s19] =	ssyncset.done $0x0  }
0x4d: {  	[sflag:s19] =	ssyncadd.s32 $0xFFFFD800  }
0x4e: {  	[spmem:s2] =	stream.indirect.scatter.add.f32 [tilespmem:s15], [sflag:$0x5], $0x80, s9, s14, $0xb8;
	[tilespmem:$0x18AC0] =	vst v63  }
0x4f: {  	_ =	swait.ge [sflag:s7], $0x2800  }
0x50: {  	s26 =	sadd.s32 s25, s21;
	[sflag:s7] =	ssyncset.done $0x0  }
0x51: {  	s25 =	sadd.s32 s25, s22;
	s28 =	sadd.s32 $0x9C4, s26;
	[sflag:s7] =	ssyncadd.s32 $0xFFFFD800  }
0x52: {  	[tilespmem:s8], [sflag:$0x1] =	stream.linear.gather [hbm4b:s28+s6], $0x50, $0x38;
	[tilespmem:$0x18AC0] =	vst v63  }
0x53: {  	s28 =	sadd.s32 $0x9C4, s25  }
0x54: {  	[tilespmem:s9], [sflag:$0x1] =	stream.linear.gather [hbm4b:s28+s6], $0x50, $0x38;
	[tilespmem:$0x18AC0] =	vst v63  }
0x55: {  	_ =	swait.ge [sflag:s13], $0x50  }
0x56: {  	[sflag:s13] =	ssyncset.done $0x0  }
0x57: {  	[sflag:s13] =	ssyncadd.s32 $0xFFFFFFB0  }
0x58: {  	_ =	swait.ge [sflag:s13], $0x50  }
0x59: {  	[sflag:s13] =	ssyncset.done $0x0  }
0x5a: {  	[sflag:s13] =	ssyncadd.s32 $0xFFFFFFB0  }
0x5b: {  	[tilespmem:s15], [sflag:$0x3] =	stream.indirect.gather [hbm4b:s10+s14], $0x80, s8, s14, $0xb8;
	[tilespmem:$0x18AC0] =	vst v63  }
0x5c: {  	_ =	swait.ge [sflag:s23], $0x2800  }
0x5d: {  	[sflag:s23] =	ssyncset.done $0x0  }
0x5e: {  	[sflag:s23] =	ssyncadd.s32 $0xFFFFD800  }
0x5f: {  	[spmem:s2] =	stream.indirect.scatter.add.f32 [tilespmem:s17], [sflag:$0x5], $0x80, s12, s14, $0xb8;
	[tilespmem:$0x18AC0] =	vst v63  }
.Ltmp0:
0x60: {  	_ =	swait.ge [sflag:s7], $0x2800;
	(pc) =	sbr.rel @p1 .LBB2_1-.Ltmp0, $4  }
0x61: {  	[sflag:s7] =	ssyncset.done $0x0  }
0x62: {  	s26 =	sadd.s32 $0x9CE, s26;
	[sflag:s7] =	ssyncadd.s32 $0xFFFFD800  }
0x63: {  	[tilespmem:s11], [sflag:$0x2] =	stream.linear.gather [hbm4b:s26+s6], $0x50, $0x38;
	[tilespmem:$0x18AC0] =	vst v63  }
0x64: {  	s25 =	sadd.s32 $0x9CE, s25  }
0x65: {  	[tilespmem:s12], [sflag:$0x2] =	stream.linear.gather [hbm4b:s25+s6], $0x50, $0x38;
	[tilespmem:$0x18AC0] =	vst v63  }
0x66: {  	s24 =	simm.s32 $0x2  }
0x67: {  	_ =	swait.ge [sflag:s24], $0x50  }
0x68: {  	[sflag:s24] =	ssyncset.done $0x0  }
0x69: {  	[sflag:s24] =	ssyncadd.s32 $0xFFFFFFB0  }
0x6a: {  	_ =	swait.ge [sflag:s24], $0x50  }
0x6b: {  	s25 =	simm.s32 $0x50;
	s7 =	simm.s32 $0x139C0;
	[sflag:s24] =	ssyncset.done $0x0  }
0x6c: {  	s8 =	simm.s32 $0x162C0;
	s26 =	simm.s32 $0x3;
	[sflag:s24] =	ssyncadd.s32 $0xFFFFFFB0  }
0x6d: {  	[tilespmem:s8], [sflag:$0x4] =	stream.indirect.gather [hbm4b:s10+s25], $0x80, s7, s25, $0xb8;
	[tilespmem:$0x18AC0] =	vst v63  }
0x6e: {  	_ =	swait.ge [sflag:s26], $0x2800  }
0x6f: {  	s28 =	simm.s32 $0x13940;
	[sflag:s26] =	ssyncset.done $0x0  }
0x70: {  	s9 =	simm.s32 $0x13AC0;
	s29 =	simm.s32 $0x5;
	[sflag:s26] =	ssyncadd.s32 $0xFFFFD800  }
0x71: {  	[spmem:s2] =	stream.indirect.scatter.add.f32 [tilespmem:s9], [sflag:$0x5], $0x80, s28, s25, $0xb8;
	[tilespmem:$0x18AC0] =	vst v63  }
0x72: {  	_ =	swait.ge [sflag:s29], $0x2800  }
0x73: {  	[sflag:s29] =	ssyncset.done $0x0  }
0x74: {  	s30 =	simm.s32 $0x4;
	[sflag:s29] =	ssyncadd.s32 $0xFFFFD800  }
0x75: {  	_ =	swait.ge [sflag:s30], $0x2800  }
0x76: {  	[sflag:s30] =	ssyncset.done $0x0  }
0x77: {  	s31 =	simm.s32 $0x13A40;
	[sflag:s30] =	ssyncadd.s32 $0xFFFFD800  }
0x78: {  	[spmem:s2] =	stream.indirect.scatter.add.f32 [tilespmem:s8], [sflag:$0x5], $0x80, s31, s25, $0xb8;
	[tilespmem:$0x18AC0] =	vst v63  }
0x79: {  	_ =	swait.ge [sflag:s29], $0x2800  }
0x7a: {  	[sflag:s29] =	ssyncset.done $0x0  }
0x7b: {  	[sflag:s29] =	ssyncadd.s32 $0xFFFFD800  }
0x7c: {  	[bflag:$0x0] =	sbarrier.arrive $0xFFFF  }
0x7d: {  	[hbm:s20], [sflag:s3] =	dma.local [spmem:s4], $0x2700  }
0x7e: {  	_ =	swait.ge [sflag:s29], $0x2700  }
0x7f: {  	[sflag:s29] =	ssyncset.done $0x0  }
0x80: {  	s2 =	simm.s32 @!p0 $0x5;
	[sflag:s29] =	ssyncadd.s32 $0xFFFFD900  }
0x81: {  	[hbm:s18], [sflag:s3] =	dma.local @!p0 [spmem:s5], $0x100  }
0x82: {  	_ =	swait.ge @!p0 [sflag:s2], $0x100  }
0x83: {  	[sflag:s2] =	ssyncset.done @!p0 $0x0  }
0x84: {  	[sflag:s2] =	ssyncadd.s32 @!p0 $0xFFFFFF00  }
0x85: {  	_ =	sfence.sel $0x180000  }
0x86: {  	[bflag:$0x0] =	sbarrier.arrive $0xFFFF  }
0x87: {  	p0 =	sne.s32 s1, $0x0;
	_ =	strace $0x90000047  }
0x88: {  	s0 =	sadd.s32 @!p0 $0x100000, s0;
	[bflag:$0x2] =	sbarrier.arrive $0xFFFF  }
0x89: {  	[sflag:s0] =	ssyncadd.tile.s32 @!p0 $0x1;
	_ =	shalt  }
.Lfunc_end2:
_tile_overlayer_lowered:
.L_overlay_start_2:
0x8a: {  	(tag) =	ssettag $0x2  }
0x8b: {  	s0 =	rddreg [dreg:$0x0];
	s2 =	stileid.u32  }
0x8c: {  	s1 =	rddreg [dreg:$0x1];
	p0 =	sne.s32 s2, $0x0  }
0x8d: {  	s3 =	rddreg [dreg:$0x2];
	[bflag:$0x3] =	sbarrier.arrive $0xFFFF;
	s2 =	simm.s32 @!p0 $0x1C05  }
0x8e: {  	[timem:s3], [sflag:s2] =	dma.local @!p0 [hbm:s0], s1  }
0x8f: {  	s0 =	simm.s32 @!p0 $0x5  }
0x90: {  	_ =	swait.ge @!p0 [sflag:s0], s1  }
0x91: {  	s1 =	ssub.s32 @!p0 $0x0, s1;
	[sflag:s0] =	ssyncset.done @!p0 $0x0  }
0x92: {  	[sflag:s0] =	ssyncadd.s32 @!p0 s1  }
0x93: {  	[bflag:$0x3] =	sbarrier.arrive $0xFFFF  }
0x94: {  	_ =	shalt  }

</sc_bundles>
